<compile_context>
chip_gen: v7x
topology: tpu7x:2x2x1
jax: 0.10.2.dev20260603
libtpu: 0.0.44.dev20260713+nightly
codegen_flags: <defaults>
</compile_context>

<pallas_src>
import functools

import jax
import jax.numpy as jnp
from jax import lax
from jax.experimental import pallas as pl
from jax.experimental.pallas import tpu as pltpu
from jax.experimental.pallas import tpu_sc as plsc

_NC = 2
_NS = 16
_NW = _NC * _NS
_L = 16

_CHUNK = 1024
_IDX_ROW = 128
_GPC = _CHUNK // _IDX_ROW
_D = 16
_NBUF = 2

_PAD_WORKERS = 25
_PAD_ROWS = 4000


def _pad_body(n_rows, table9_hbm, table16_hbm, in_v, out_v):
    wid = lax.axis_index("s") * _NC + lax.axis_index("c")
    iota = lax.iota(jnp.int32, _L)

    @pl.when(wid < _PAD_WORKERS)
    def _():
        row0 = wid * _PAD_ROWS
        for e in range(9):
            pltpu.sync_copy(
                table9_hbm.at[pl.ds(e * n_rows + row0, _PAD_ROWS)],
                in_v.at[pl.ds(e * _PAD_ROWS, _PAD_ROWS)])
        zeros = jnp.zeros((_L,), jnp.float32)

        def group(g, _):
            lanes = jnp.broadcast_to(g * _L, (_L,)).astype(jnp.int32) + iota
            for e in range(9):
                col = in_v[pl.ds(e * _PAD_ROWS + g * _L, _L)]
                plsc.store_scatter(out_v, [lanes, jnp.full((_L,), e, jnp.int32)], col)
            for e in range(9, _D):
                plsc.store_scatter(out_v, [lanes, jnp.full((_L,), e, jnp.int32)], zeros)
            return ()

        lax.fori_loop(0, _PAD_ROWS // _L, group, ())
        pltpu.sync_copy(out_v, table16_hbm.at[pl.ds(row0, _PAD_ROWS)])


@jax.jit
def _pad_call(table9):
    n_rows = table9.shape[0] // 9
    grid_kernel = pl.kernel(
        functools.partial(_pad_body, n_rows),
        out_type=jax.ShapeDtypeStruct((n_rows, _D), jnp.float32),
        mesh=plsc.VectorSubcoreMesh(core_axis_name="c", subcore_axis_name="s"),
        compiler_params=pltpu.CompilerParams(
            needs_layout_passes=False, use_tc_tiling_on_sc=False),
        scratch_types=[
            pltpu.VMEM((_PAD_ROWS * 9,), jnp.float32),
            pltpu.VMEM((_PAD_ROWS, _D), jnp.float32),
        ],
    )
    return grid_kernel(table9)


def _texture_body(n_tokens, hw, w_len, table_hbm, idx_hbm, bary_hbm, out_hbm,
                  idx_v, bary_v, rows_v, out_v, sem_g0, sem_g1, sem_b0, sem_b1):
    per_worker = n_tokens // _NW
    n_chunks = per_worker // _CHUNK
    row3 = 3 * w_len
    wid = lax.axis_index("s") * _NC + lax.axis_index("c")
    iota = lax.iota(jnp.int32, _L)
    sem_g = [sem_g0, sem_g1]
    sem_b = [sem_b0, sem_b1]

    def stage(chunk, buf):
        tok_base = pl.multiple_of(wid * per_worker + chunk * _CHUNK, _CHUNK)
        pltpu.sync_copy(idx_hbm.at[pl.ds(tok_base, _CHUNK)], idx_v.at[buf])
        for j in range(_GPC):
            pltpu.async_copy(
                table_hbm.at[idx_v.at[buf].at[pl.ds(j * _IDX_ROW, _IDX_ROW)]],
                rows_v.at[buf].at[pl.ds(j * _IDX_ROW, _IDX_ROW)],
                sem_g[buf],
            )
        pltpu.async_copy(bary_hbm.at[pl.ds(3 * tok_base, 3 * _CHUNK)],
                         bary_v.at[buf], sem_b[buf])

    def drain(buf):
        for j in range(_GPC):
            pltpu.make_async_copy(
                table_hbm.at[idx_v.at[buf].at[pl.ds(j * _IDX_ROW, _IDX_ROW)]],
                rows_v.at[buf].at[pl.ds(j * _IDX_ROW, _IDX_ROW)],
                sem_g[buf],
            ).wait()
        pltpu.make_async_copy(bary_hbm.at[pl.ds(0, 3 * _CHUNK)],
                              bary_v.at[buf], sem_b[buf]).wait()

    def compute(chunk, buf):
        tok_base = pl.multiple_of(wid * per_worker + chunk * _CHUNK, _CHUNK)
        idx_b, bary_b, rows_b, out_b = (idx_v.at[buf], bary_v.at[buf],
                                        rows_v.at[buf], out_v.at[buf])

        def group_body(j, _):
            base = j * _IDX_ROW
            for k in range(_IDX_ROW // _L):
                g16 = base + k * _L
                lane = jnp.broadcast_to(g16, (_L,)).astype(jnp.int32) + iota
                idx16 = idx_b[pl.ds(g16, _L)]
                m = idx16 > 0
                h_local = g16 // w_len
                boff = h_local * row3 + (g16 - h_local * w_len)
                bw = [bary_b[pl.ds(boff + v * w_len, _L)] for v in range(3)]
                ge = [plsc.load_gather(rows_b, [lane, jnp.full((_L,), e, jnp.int32)])
                      for e in range(9)]
                for c in range(3):
                    oc = bw[0] * ge[c] + bw[1] * ge[3 + c] + bw[2] * ge[6 + c]
                    oc = jnp.where(m, oc, 0.0)
                    out_b[pl.ds(c * _CHUNK + g16, _L)] = oc
            return ()

        lax.fori_loop(0, _GPC, group_body, ())

        b_img = tok_base // hw
        p_base = tok_base - b_img * hw
        for c in range(3):
            off = pl.multiple_of(b_img * 3 * hw + c * hw + p_base, _CHUNK)
            pltpu.sync_copy(out_b.at[pl.ds(c * _CHUNK, _CHUNK)],
                            out_hbm.at[pl.ds(off, _CHUNK)])

    stage(0, 0)

    def pair_body(p, _):
        for buf in range(_NBUF):
            chunk = p * _NBUF + buf
            nxt = chunk + 1

            @pl.when(nxt < n_chunks)
            def _():
                stage(nxt, 1 - buf)

            drain(buf)
            compute(chunk, buf)
        return ()

    lax.fori_loop(0, n_chunks // _NBUF, pair_body, ())


@functools.partial(jax.jit, static_argnums=(3, 4, 5))
def _texture_call(table, idx, bary, n_tokens, hw, w_len):
    grid_kernel = pl.kernel(
        functools.partial(_texture_body, n_tokens, hw, w_len),
        out_type=jax.ShapeDtypeStruct((3 * n_tokens,), jnp.float32),
        mesh=plsc.VectorSubcoreMesh(core_axis_name="c", subcore_axis_name="s"),
        compiler_params=pltpu.CompilerParams(
            needs_layout_passes=False, use_tc_tiling_on_sc=False),
        scratch_types=[
            pltpu.VMEM((_NBUF, _CHUNK), jnp.int32),
            pltpu.VMEM((_NBUF, 3 * _CHUNK), jnp.float32),
            pltpu.VMEM((_NBUF, _CHUNK, _D), jnp.float32),
            pltpu.VMEM((_NBUF, 3 * _CHUNK), jnp.float32),
            pltpu.SemaphoreType.DMA,
            pltpu.SemaphoreType.DMA,
            pltpu.SemaphoreType.DMA,
            pltpu.SemaphoreType.DMA,
        ],
    )
    return grid_kernel(table, idx, bary)


def kernel(pix_to_face, bary_coords, face_verts_colors):
    B, H, W, K = pix_to_face.shape
    F, V, C = face_verts_colors.shape
    n = B * H * W * K
    hw = H * W * K
    idx = pix_to_face.reshape(n).astype(jnp.int32)
    bary = jnp.transpose(bary_coords, (0, 1, 4, 3, 2)).reshape(3 * n)
    table16 = _pad_call(jnp.transpose(face_verts_colors, (1, 2, 0)).reshape(F * V * C))
    out_flat = _texture_call(table16, idx, bary, n, hw, W * K)
    return out_flat.reshape(B, C, H, W)

# --- scband reference (transcript-rebuilt; emitter-appended) ---
"""Pipeline reference for scband-texture-shader-18313740550286 (READ-ONLY COPY).

The authoritative reference and input builder live on the scoring server;
editing this copy changes nothing except your own understanding.
"""

import jax, jax.numpy as jnp
import numpy as np


def setup_inputs(seed: int = 0) -> dict:
    key = jax.random.key(seed)
    k1, k2, k3 = jax.random.split(key, 3)
    B, H, W, K = 8, 512, 512, 1
    F_faces, V, C = 100000, 3, 3
    pix_to_face = jax.random.randint(k1, (B, H, W, K), 0, F_faces, dtype=jnp.int64)
    bary_coords = jax.random.uniform(k2, (B, H, W, K, 3), dtype=jnp.float32)
    face_verts_colors = jax.random.normal(k3, (F_faces, V, C), dtype=jnp.float32)
    return {"pix_to_face": pix_to_face, "bary_coords": bary_coords, "face_verts_colors": face_verts_colors}


def reference(pix_to_face, bary_coords, face_verts_colors):
    # meshes.sample_textures(fragments): barycentric interpolation of per-face
    # vertex colors gathered by pix_to_face (TexturesVertex semantics).
    # gathered: [B, H, W, K, 3(verts), C]
    gathered = jnp.take(face_verts_colors, pix_to_face, axis=0)
    # colors: [B, H, W, K, C]
    colors = jnp.sum(bary_coords[..., None] * gathered, axis=-2)
    # mask = fragments.pix_to_face > 0; output = zeros_like; output[mask] = colors[mask]
    mask = pix_to_face > 0
    output = jnp.where(mask[..., None], colors, jnp.zeros_like(colors))
    # output = output[:, :, :, 0, :]
    output = output[:, :, :, 0, :]
    # rearrange 'b h w c -> b c h w'
    output = jnp.transpose(output, (0, 3, 1, 2))
    return output

if __name__ == "__main__":
    import jax
    _d = setup_inputs()
    print(jax.jit(kernel)(*tuple(_d.values())))

</pallas_src>

<mosaic_0001>
#map = affine_map<(d0, d1) -> (0)>
#map1 = affine_map<(d0, d1) -> (0, 0)>
module attributes {stable_mosaic.version = 14 : i64} {
  func.func @_pad_body(%arg0: i32, %arg1: i32, %arg2: memref<900000xf32, #tpu.memory_space<hbm>>, %arg3: memref<100000x16xf32, #tpu.memory_space<hbm>>, %arg4: memref<36000xf32, #tpu.memory_space<vmem>>, %arg5: memref<4000x16xf32, #tpu.memory_space<vmem>>) attributes {dimension_semantics = [#tpu.dimension_semantics<core_parallel>, #tpu.dimension_semantics<subcore_parallel>], iteration_bounds = array<i64: 2, 16>, scalar_prefetch = 0 : i64, scratch_operands = 2 : i64, tpu.core_type = #tpu.core_type<sc_vector_subcore>, window_params = [{transform_indices = #map}, {transform_indices = #map1}]} {
    %mul3A = arith.constant 2 : i32
    %mul3A_0 = arith.muli %arg1, %mul3A : i32
    %add3A = arith.addi %mul3A_0, %arg0 : i32
    %iota3A = tpu.iota {dimensions = array<i32: 0>} : vector<16xi32>
    %lt3A = arith.constant 25 : i32
    %lt3A_1 = arith.cmpi slt, %add3A, %lt3A : i32
    %convert_element_type3A = arith.extui %lt3A_1 : i1 to i32
    %cond3A = arith.constant 0 : i32
    %cond3A_2 = arith.cmpi ne, %convert_element_type3A, %cond3A : i32
    scf.if %cond3A_2 {
      %mul3A_3 = arith.constant 4000 : i32
      %mul3A_4 = arith.muli %add3A, %mul3A_3 : i32
      %add3A_5 = arith.constant 0 : i32
      %add3A_6 = arith.addi %add3A_5, %mul3A_4 : i32
      "tpu.region"() ({
        %run_scoped3A = tpu.sem_alloc : memref<!tpu.dma_semaphore, #tpu.memory_space<semaphore_mem>>
        %dma_start3A = arith.constant 0 : i32
        %dma_start3A_28 = tpu.memref_slice %arg4[%dma_start3A] : memref<36000xf32, #tpu.memory_space<vmem>> -> memref<4000xf32, #tpu.memory_space<vmem>>
        %dma_start3A_29 = tpu.memref_slice %arg2[%add3A_6] : memref<900000xf32, #tpu.memory_space<hbm>> -> memref<4000xf32, #tpu.memory_space<hbm>>
        %dma_start3A_30 = arith.constant 0 : i32
        %dma_start3A_31 = tpu.memref_slice %arg4[%dma_start3A_30] : memref<36000xf32, #tpu.memory_space<vmem>> -> memref<4000xf32, #tpu.memory_space<vmem>>
        %dma_start3A_32 = tpu.memref_slice %arg2[%add3A_6] : memref<900000xf32, #tpu.memory_space<hbm>> -> memref<4000xf32, #tpu.memory_space<hbm>>
        tpu.enqueue_dma source(%dma_start3A_32 : memref<4000xf32, #tpu.memory_space<hbm>>) target(%dma_start3A_31 : memref<4000xf32, #tpu.memory_space<vmem>>) target_semaphore(%run_scoped3A : memref<!tpu.dma_semaphore, #tpu.memory_space<semaphore_mem>>)
        %dma_wait3A = arith.constant 0 : i32
        %dma_wait3A_33 = tpu.memref_slice %arg4[%dma_wait3A] : memref<36000xf32, #tpu.memory_space<vmem>> -> memref<4000xf32, #tpu.memory_space<vmem>>
        %dma_wait3A_34 = tpu.memref_slice %arg2[%add3A_6] : memref<900000xf32, #tpu.memory_space<hbm>> -> memref<4000xf32, #tpu.memory_space<hbm>>
        %dma_wait3A_35 = arith.constant 0 : i32
        %dma_wait3A_36 = tpu.memref_slice %arg4[%dma_wait3A_35] : memref<36000xf32, #tpu.memory_space<vmem>> -> memref<4000xf32, #tpu.memory_space<vmem>>
        %dma_wait3A_37 = tpu.memref_slice %arg2[%add3A_6] : memref<900000xf32, #tpu.memory_space<hbm>> -> memref<4000xf32, #tpu.memory_space<hbm>>
        tpu.wait_dma2 semaphore(%run_scoped3A : memref<!tpu.dma_semaphore, #tpu.memory_space<semaphore_mem>>) src(%dma_wait3A_37 : memref<4000xf32, #tpu.memory_space<hbm>>) dst(%dma_wait3A_36 : memref<4000xf32, #tpu.memory_space<vmem>>)
        tpu.yield
      }) : () -> ()
      %add3A_7 = arith.constant 100000 : i32
      %add3A_8 = arith.addi %add3A_7, %mul3A_4 : i32
      "tpu.region"() ({
        %run_scoped3A = tpu.sem_alloc : memref<!tpu.dma_semaphore, #tpu.memory_space<semaphore_mem>>
        %dma_start3A = arith.constant 4000 : i32
        %dma_start3A_28 = tpu.memref_slice %arg4[%dma_start3A] : memref<36000xf32, #tpu.memory_space<vmem>> -> memref<4000xf32, #tpu.memory_space<vmem>>
        %dma_start3A_29 = tpu.memref_slice %arg2[%add3A_8] : memref<900000xf32, #tpu.memory_space<hbm>> -> memref<4000xf32, #tpu.memory_space<hbm>>
        %dma_start3A_30 = arith.constant 4000 : i32
        %dma_start3A_31 = tpu.memref_slice %arg4[%dma_start3A_30] : memref<36000xf32, #tpu.memory_space<vmem>> -> memref<4000xf32, #tpu.memory_space<vmem>>
        %dma_start3A_32 = tpu.memref_slice %arg2[%add3A_8] : memref<900000xf32, #tpu.memory_space<hbm>> -> memref<4000xf32, #tpu.memory_space<hbm>>
        tpu.enqueue_dma source(%dma_start3A_32 : memref<4000xf32, #tpu.memory_space<hbm>>) target(%dma_start3A_31 : memref<4000xf32, #tpu.memory_space<vmem>>) target_semaphore(%run_scoped3A : memref<!tpu.dma_semaphore, #tpu.memory_space<semaphore_mem>>)
        %dma_wait3A = arith.constant 4000 : i32
        %dma_wait3A_33 = tpu.memref_slice %arg4[%dma_wait3A] : memref<36000xf32, #tpu.memory_space<vmem>> -> memref<4000xf32, #tpu.memory_space<vmem>>
        %dma_wait3A_34 = tpu.memref_slice %arg2[%add3A_8] : memref<900000xf32, #tpu.memory_space<hbm>> -> memref<4000xf32, #tpu.memory_space<hbm>>
        %dma_wait3A_35 = arith.constant 4000 : i32
        %dma_wait3A_36 = tpu.memref_slice %arg4[%dma_wait3A_35] : memref<36000xf32, #tpu.memory_space<vmem>> -> memref<4000xf32, #tpu.memory_space<vmem>>
        %dma_wait3A_37 = tpu.memref_slice %arg2[%add3A_8] : memref<900000xf32, #tpu.memory_space<hbm>> -> memref<4000xf32, #tpu.memory_space<hbm>>
        tpu.wait_dma2 semaphore(%run_scoped3A : memref<!tpu.dma_semaphore, #tpu.memory_space<semaphore_mem>>) src(%dma_wait3A_37 : memref<4000xf32, #tpu.memory_space<hbm>>) dst(%dma_wait3A_36 : memref<4000xf32, #tpu.memory_space<vmem>>)
        tpu.yield
      }) : () -> ()
      %add3A_9 = arith.constant 200000 : i32
      %add3A_10 = arith.addi %add3A_9, %mul3A_4 : i32
      "tpu.region"() ({
        %run_scoped3A = tpu.sem_alloc : memref<!tpu.dma_semaphore, #tpu.memory_space<semaphore_mem>>
        %dma_start3A = arith.constant 8000 : i32
        %dma_start3A_28 = tpu.memref_slice %arg4[%dma_start3A] : memref<36000xf32, #tpu.memory_space<vmem>> -> memref<4000xf32, #tpu.memory_space<vmem>>
        %dma_start3A_29 = tpu.memref_slice %arg2[%add3A_10] : memref<900000xf32, #tpu.memory_space<hbm>> -> memref<4000xf32, #tpu.memory_space<hbm>>
        %dma_start3A_30 = arith.constant 8000 : i32
        %dma_start3A_31 = tpu.memref_slice %arg4[%dma_start3A_30] : memref<36000xf32, #tpu.memory_space<vmem>> -> memref<4000xf32, #tpu.memory_space<vmem>>
        %dma_start3A_32 = tpu.memref_slice %arg2[%add3A_10] : memref<900000xf32, #tpu.memory_space<hbm>> -> memref<4000xf32, #tpu.memory_space<hbm>>
        tpu.enqueue_dma source(%dma_start3A_32 : memref<4000xf32, #tpu.memory_space<hbm>>) target(%dma_start3A_31 : memref<4000xf32, #tpu.memory_space<vmem>>) target_semaphore(%run_scoped3A : memref<!tpu.dma_semaphore, #tpu.memory_space<semaphore_mem>>)
        %dma_wait3A = arith.constant 8000 : i32
        %dma_wait3A_33 = tpu.memref_slice %arg4[%dma_wait3A] : memref<36000xf32, #tpu.memory_space<vmem>> -> memref<4000xf32, #tpu.memory_space<vmem>>
        %dma_wait3A_34 = tpu.memref_slice %arg2[%add3A_10] : memref<900000xf32, #tpu.memory_space<hbm>> -> memref<4000xf32, #tpu.memory_space<hbm>>
        %dma_wait3A_35 = arith.constant 8000 : i32
        %dma_wait3A_36 = tpu.memref_slice %arg4[%dma_wait3A_35] : memref<36000xf32, #tpu.memory_space<vmem>> -> memref<4000xf32, #tpu.memory_space<vmem>>
        %dma_wait3A_37 = tpu.memref_slice %arg2[%add3A_10] : memref<900000xf32, #tpu.memory_space<hbm>> -> memref<4000xf32, #tpu.memory_space<hbm>>
        tpu.wait_dma2 semaphore(%run_scoped3A : memref<!tpu.dma_semaphore, #tpu.memory_space<semaphore_mem>>) src(%dma_wait3A_37 : memref<4000xf32, #tpu.memory_space<hbm>>) dst(%dma_wait3A_36 : memref<4000xf32, #tpu.memory_space<vmem>>)
        tpu.yield
      }) : () -> ()
      %add3A_11 = arith.constant 300000 : i32
      %add3A_12 = arith.addi %add3A_11, %mul3A_4 : i32
      "tpu.region"() ({
        %run_scoped3A = tpu.sem_alloc : memref<!tpu.dma_semaphore, #tpu.memory_space<semaphore_mem>>
        %dma_start3A = arith.constant 12000 : i32
        %dma_start3A_28 = tpu.memref_slice %arg4[%dma_start3A] : memref<36000xf32, #tpu.memory_space<vmem>> -> memref<4000xf32, #tpu.memory_space<vmem>>
        %dma_start3A_29 = tpu.memref_slice %arg2[%add3A_12] : memref<900000xf32, #tpu.memory_space<hbm>> -> memref<4000xf32, #tpu.memory_space<hbm>>
        %dma_start3A_30 = arith.constant 12000 : i32
        %dma_start3A_31 = tpu.memref_slice %arg4[%dma_start3A_30] : memref<36000xf32, #tpu.memory_space<vmem>> -> memref<4000xf32, #tpu.memory_space<vmem>>
        %dma_start3A_32 = tpu.memref_slice %arg2[%add3A_12] : memref<900000xf32, #tpu.memory_space<hbm>> -> memref<4000xf32, #tpu.memory_space<hbm>>
        tpu.enqueue_dma source(%dma_start3A_32 : memref<4000xf32, #tpu.memory_space<hbm>>) target(%dma_start3A_31 : memref<4000xf32, #tpu.memory_space<vmem>>) target_semaphore(%run_scoped3A : memref<!tpu.dma_semaphore, #tpu.memory_space<semaphore_mem>>)
        %dma_wait3A = arith.constant 12000 : i32
        %dma_wait3A_33 = tpu.memref_slice %arg4[%dma_wait3A] : memref<36000xf32, #tpu.memory_space<vmem>> -> memref<4000xf32, #tpu.memory_space<vmem>>
        %dma_wait3A_34 = tpu.memref_slice %arg2[%add3A_12] : memref<900000xf32, #tpu.memory_space<hbm>> -> memref<4000xf32, #tpu.memory_space<hbm>>
        %dma_wait3A_35 = arith.constant 12000 : i32
        %dma_wait3A_36 = tpu.memref_slice %arg4[%dma_wait3A_35] : memref<36000xf32, #tpu.memory_space<vmem>> -> memref<4000xf32, #tpu.memory_space<vmem>>
        %dma_wait3A_37 = tpu.memref_slice %arg2[%add3A_12] : memref<900000xf32, #tpu.memory_space<hbm>> -> memref<4000xf32, #tpu.memory_space<hbm>>
        tpu.wait_dma2 semaphore(%run_scoped3A : memref<!tpu.dma_semaphore, #tpu.memory_space<semaphore_mem>>) src(%dma_wait3A_37 : memref<4000xf32, #tpu.memory_space<hbm>>) dst(%dma_wait3A_36 : memref<4000xf32, #tpu.memory_space<vmem>>)
        tpu.yield
      }) : () -> ()
      %add3A_13 = arith.constant 400000 : i32
      %add3A_14 = arith.addi %add3A_13, %mul3A_4 : i32
      "tpu.region"() ({
        %run_scoped3A = tpu.sem_alloc : memref<!tpu.dma_semaphore, #tpu.memory_space<semaphore_mem>>
        %dma_start3A = arith.constant 16000 : i32
        %dma_start3A_28 = tpu.memref_slice %arg4[%dma_start3A] : memref<36000xf32, #tpu.memory_space<vmem>> -> memref<4000xf32, #tpu.memory_space<vmem>>
        %dma_start3A_29 = tpu.memref_slice %arg2[%add3A_14] : memref<900000xf32, #tpu.memory_space<hbm>> -> memref<4000xf32, #tpu.memory_space<hbm>>
        %dma_start3A_30 = arith.constant 16000 : i32
        %dma_start3A_31 = tpu.memref_slice %arg4[%dma_start3A_30] : memref<36000xf32, #tpu.memory_space<vmem>> -> memref<4000xf32, #tpu.memory_space<vmem>>
        %dma_start3A_32 = tpu.memref_slice %arg2[%add3A_14] : memref<900000xf32, #tpu.memory_space<hbm>> -> memref<4000xf32, #tpu.memory_space<hbm>>
        tpu.enqueue_dma source(%dma_start3A_32 : memref<4000xf32, #tpu.memory_space<hbm>>) target(%dma_start3A_31 : memref<4000xf32, #tpu.memory_space<vmem>>) target_semaphore(%run_scoped3A : memref<!tpu.dma_semaphore, #tpu.memory_space<semaphore_mem>>)
        %dma_wait3A = arith.constant 16000 : i32
        %dma_wait3A_33 = tpu.memref_slice %arg4[%dma_wait3A] : memref<36000xf32, #tpu.memory_space<vmem>> -> memref<4000xf32, #tpu.memory_space<vmem>>
        %dma_wait3A_34 = tpu.memref_slice %arg2[%add3A_14] : memref<900000xf32, #tpu.memory_space<hbm>> -> memref<4000xf32, #tpu.memory_space<hbm>>
        %dma_wait3A_35 = arith.constant 16000 : i32
        %dma_wait3A_36 = tpu.memref_slice %arg4[%dma_wait3A_35] : memref<36000xf32, #tpu.memory_space<vmem>> -> memref<4000xf32, #tpu.memory_space<vmem>>
        %dma_wait3A_37 = tpu.memref_slice %arg2[%add3A_14] : memref<900000xf32, #tpu.memory_space<hbm>> -> memref<4000xf32, #tpu.memory_space<hbm>>
        tpu.wait_dma2 semaphore(%run_scoped3A : memref<!tpu.dma_semaphore, #tpu.memory_space<semaphore_mem>>) src(%dma_wait3A_37 : memref<4000xf32, #tpu.memory_space<hbm>>) dst(%dma_wait3A_36 : memref<4000xf32, #tpu.memory_space<vmem>>)
        tpu.yield
      }) : () -> ()
      %add3A_15 = arith.constant 500000 : i32
      %add3A_16 = arith.addi %add3A_15, %mul3A_4 : i32
      "tpu.region"() ({
        %run_scoped3A = tpu.sem_alloc : memref<!tpu.dma_semaphore, #tpu.memory_space<semaphore_mem>>
        %dma_start3A = arith.constant 20000 : i32
        %dma_start3A_28 = tpu.memref_slice %arg4[%dma_start3A] : memref<36000xf32, #tpu.memory_space<vmem>> -> memref<4000xf32, #tpu.memory_space<vmem>>
        %dma_start3A_29 = tpu.memref_slice %arg2[%add3A_16] : memref<900000xf32, #tpu.memory_space<hbm>> -> memref<4000xf32, #tpu.memory_space<hbm>>
        %dma_start3A_30 = arith.constant 20000 : i32
        %dma_start3A_31 = tpu.memref_slice %arg4[%dma_start3A_30] : memref<36000xf32, #tpu.memory_space<vmem>> -> memref<4000xf32, #tpu.memory_space<vmem>>
        %dma_start3A_32 = tpu.memref_slice %arg2[%add3A_16] : memref<900000xf32, #tpu.memory_space<hbm>> -> memref<4000xf32, #tpu.memory_space<hbm>>
        tpu.enqueue_dma source(%dma_start3A_32 : memref<4000xf32, #tpu.memory_space<hbm>>) target(%dma_start3A_31 : memref<4000xf32, #tpu.memory_space<vmem>>) target_semaphore(%run_scoped3A : memref<!tpu.dma_semaphore, #tpu.memory_space<semaphore_mem>>)
        %dma_wait3A = arith.constant 20000 : i32
        %dma_wait3A_33 = tpu.memref_slice %arg4[%dma_wait3A] : memref<36000xf32, #tpu.memory_space<vmem>> -> memref<4000xf32, #tpu.memory_space<vmem>>
        %dma_wait3A_34 = tpu.memref_slice %arg2[%add3A_16] : memref<900000xf32, #tpu.memory_space<hbm>> -> memref<4000xf32, #tpu.memory_space<hbm>>
        %dma_wait3A_35 = arith.constant 20000 : i32
        %dma_wait3A_36 = tpu.memref_slice %arg4[%dma_wait3A_35] : memref<36000xf32, #tpu.memory_space<vmem>> -> memref<4000xf32, #tpu.memory_space<vmem>>
        %dma_wait3A_37 = tpu.memref_slice %arg2[%add3A_16] : memref<900000xf32, #tpu.memory_space<hbm>> -> memref<4000xf32, #tpu.memory_space<hbm>>
        tpu.wait_dma2 semaphore(%run_scoped3A : memref<!tpu.dma_semaphore, #tpu.memory_space<semaphore_mem>>) src(%dma_wait3A_37 : memref<4000xf32, #tpu.memory_space<hbm>>) dst(%dma_wait3A_36 : memref<4000xf32, #tpu.memory_space<vmem>>)
        tpu.yield
      }) : () -> ()
      %add3A_17 = arith.constant 600000 : i32
      %add3A_18 = arith.addi %add3A_17, %mul3A_4 : i32
      "tpu.region"() ({
        %run_scoped3A = tpu.sem_alloc : memref<!tpu.dma_semaphore, #tpu.memory_space<semaphore_mem>>
        %dma_start3A = arith.constant 24000 : i32
        %dma_start3A_28 = tpu.memref_slice %arg4[%dma_start3A] : memref<36000xf32, #tpu.memory_space<vmem>> -> memref<4000xf32, #tpu.memory_space<vmem>>
        %dma_start3A_29 = tpu.memref_slice %arg2[%add3A_18] : memref<900000xf32, #tpu.memory_space<hbm>> -> memref<4000xf32, #tpu.memory_space<hbm>>
        %dma_start3A_30 = arith.constant 24000 : i32
        %dma_start3A_31 = tpu.memref_slice %arg4[%dma_start3A_30] : memref<36000xf32, #tpu.memory_space<vmem>> -> memref<4000xf32, #tpu.memory_space<vmem>>
        %dma_start3A_32 = tpu.memref_slice %arg2[%add3A_18] : memref<900000xf32, #tpu.memory_space<hbm>> -> memref<4000xf32, #tpu.memory_space<hbm>>
        tpu.enqueue_dma source(%dma_start3A_32 : memref<4000xf32, #tpu.memory_space<hbm>>) target(%dma_start3A_31 : memref<4000xf32, #tpu.memory_space<vmem>>) target_semaphore(%run_scoped3A : memref<!tpu.dma_semaphore, #tpu.memory_space<semaphore_mem>>)
        %dma_wait3A = arith.constant 24000 : i32
        %dma_wait3A_33 = tpu.memref_slice %arg4[%dma_wait3A] : memref<36000xf32, #tpu.memory_space<vmem>> -> memref<4000xf32, #tpu.memory_space<vmem>>
        %dma_wait3A_34 = tpu.memref_slice %arg2[%add3A_18] : memref<900000xf32, #tpu.memory_space<hbm>> -> memref<4000xf32, #tpu.memory_space<hbm>>
        %dma_wait3A_35 = arith.constant 24000 : i32
        %dma_wait3A_36 = tpu.memref_slice %arg4[%dma_wait3A_35] : memref<36000xf32, #tpu.memory_space<vmem>> -> memref<4000xf32, #tpu.memory_space<vmem>>
        %dma_wait3A_37 = tpu.memref_slice %arg2[%add3A_18] : memref<900000xf32, #tpu.memory_space<hbm>> -> memref<4000xf32, #tpu.memory_space<hbm>>
        tpu.wait_dma2 semaphore(%run_scoped3A : memref<!tpu.dma_semaphore, #tpu.memory_space<semaphore_mem>>) src(%dma_wait3A_37 : memref<4000xf32, #tpu.memory_space<hbm>>) dst(%dma_wait3A_36 : memref<4000xf32, #tpu.memory_space<vmem>>)
        tpu.yield
      }) : () -> ()
      %add3A_19 = arith.constant 700000 : i32
      %add3A_20 = arith.addi %add3A_19, %mul3A_4 : i32
      "tpu.region"() ({
        %run_scoped3A = tpu.sem_alloc : memref<!tpu.dma_semaphore, #tpu.memory_space<semaphore_mem>>
        %dma_start3A = arith.constant 28000 : i32
        %dma_start3A_28 = tpu.memref_slice %arg4[%dma_start3A] : memref<36000xf32, #tpu.memory_space<vmem>> -> memref<4000xf32, #tpu.memory_space<vmem>>
        %dma_start3A_29 = tpu.memref_slice %arg2[%add3A_20] : memref<900000xf32, #tpu.memory_space<hbm>> -> memref<4000xf32, #tpu.memory_space<hbm>>
        %dma_start3A_30 = arith.constant 28000 : i32
        %dma_start3A_31 = tpu.memref_slice %arg4[%dma_start3A_30] : memref<36000xf32, #tpu.memory_space<vmem>> -> memref<4000xf32, #tpu.memory_space<vmem>>
        %dma_start3A_32 = tpu.memref_slice %arg2[%add3A_20] : memref<900000xf32, #tpu.memory_space<hbm>> -> memref<4000xf32, #tpu.memory_space<hbm>>
        tpu.enqueue_dma source(%dma_start3A_32 : memref<4000xf32, #tpu.memory_space<hbm>>) target(%dma_start3A_31 : memref<4000xf32, #tpu.memory_space<vmem>>) target_semaphore(%run_scoped3A : memref<!tpu.dma_semaphore, #tpu.memory_space<semaphore_mem>>)
        %dma_wait3A = arith.constant 28000 : i32
        %dma_wait3A_33 = tpu.memref_slice %arg4[%dma_wait3A] : memref<36000xf32, #tpu.memory_space<vmem>> -> memref<4000xf32, #tpu.memory_space<vmem>>
        %dma_wait3A_34 = tpu.memref_slice %arg2[%add3A_20] : memref<900000xf32, #tpu.memory_space<hbm>> -> memref<4000xf32, #tpu.memory_space<hbm>>
        %dma_wait3A_35 = arith.constant 28000 : i32
        %dma_wait3A_36 = tpu.memref_slice %arg4[%dma_wait3A_35] : memref<36000xf32, #tpu.memory_space<vmem>> -> memref<4000xf32, #tpu.memory_space<vmem>>
        %dma_wait3A_37 = tpu.memref_slice %arg2[%add3A_20] : memref<900000xf32, #tpu.memory_space<hbm>> -> memref<4000xf32, #tpu.memory_space<hbm>>
        tpu.wait_dma2 semaphore(%run_scoped3A : memref<!tpu.dma_semaphore, #tpu.memory_space<semaphore_mem>>) src(%dma_wait3A_37 : memref<4000xf32, #tpu.memory_space<hbm>>) dst(%dma_wait3A_36 : memref<4000xf32, #tpu.memory_space<vmem>>)
        tpu.yield
      }) : () -> ()
      %add3A_21 = arith.constant 800000 : i32
      %add3A_22 = arith.addi %add3A_21, %mul3A_4 : i32
      "tpu.region"() ({
        %run_scoped3A = tpu.sem_alloc : memref<!tpu.dma_semaphore, #tpu.memory_space<semaphore_mem>>
        %dma_start3A = arith.constant 32000 : i32
        %dma_start3A_28 = tpu.memref_slice %arg4[%dma_start3A] : memref<36000xf32, #tpu.memory_space<vmem>> -> memref<4000xf32, #tpu.memory_space<vmem>>
        %dma_start3A_29 = tpu.memref_slice %arg2[%add3A_22] : memref<900000xf32, #tpu.memory_space<hbm>> -> memref<4000xf32, #tpu.memory_space<hbm>>
        %dma_start3A_30 = arith.constant 32000 : i32
        %dma_start3A_31 = tpu.memref_slice %arg4[%dma_start3A_30] : memref<36000xf32, #tpu.memory_space<vmem>> -> memref<4000xf32, #tpu.memory_space<vmem>>
        %dma_start3A_32 = tpu.memref_slice %arg2[%add3A_22] : memref<900000xf32, #tpu.memory_space<hbm>> -> memref<4000xf32, #tpu.memory_space<hbm>>
        tpu.enqueue_dma source(%dma_start3A_32 : memref<4000xf32, #tpu.memory_space<hbm>>) target(%dma_start3A_31 : memref<4000xf32, #tpu.memory_space<vmem>>) target_semaphore(%run_scoped3A : memref<!tpu.dma_semaphore, #tpu.memory_space<semaphore_mem>>)
        %dma_wait3A = arith.constant 32000 : i32
        %dma_wait3A_33 = tpu.memref_slice %arg4[%dma_wait3A] : memref<36000xf32, #tpu.memory_space<vmem>> -> memref<4000xf32, #tpu.memory_space<vmem>>
        %dma_wait3A_34 = tpu.memref_slice %arg2[%add3A_22] : memref<900000xf32, #tpu.memory_space<hbm>> -> memref<4000xf32, #tpu.memory_space<hbm>>
        %dma_wait3A_35 = arith.constant 32000 : i32
        %dma_wait3A_36 = tpu.memref_slice %arg4[%dma_wait3A_35] : memref<36000xf32, #tpu.memory_space<vmem>> -> memref<4000xf32, #tpu.memory_space<vmem>>
        %dma_wait3A_37 = tpu.memref_slice %arg2[%add3A_22] : memref<900000xf32, #tpu.memory_space<hbm>> -> memref<4000xf32, #tpu.memory_space<hbm>>
        tpu.wait_dma2 semaphore(%run_scoped3A : memref<!tpu.dma_semaphore, #tpu.memory_space<semaphore_mem>>) src(%dma_wait3A_37 : memref<4000xf32, #tpu.memory_space<hbm>>) dst(%dma_wait3A_36 : memref<4000xf32, #tpu.memory_space<vmem>>)
        tpu.yield
      }) : () -> ()
      %broadcast_in_dim3A = arith.constant 0.000000e+00 : f32
      %broadcast_in_dim3A_23 = vector.broadcast %broadcast_in_dim3A : f32 to vector<16xf32>
      %scan3A = arith.constant 0 : i32
      %scan3A_24 = arith.constant 250 : i32
      %scan3A_25 = arith.addi %scan3A, %scan3A_24 : i32
      %scan3A_26 = arith.constant 1 : i32
      scf.for %scan3A_28 = %scan3A to %scan3A_25 step %scan3A_26  : i32 {
        %mul3A_29 = arith.constant 16 : i32
        %mul3A_30 = arith.muli %scan3A_28, %mul3A_29 : i32
        %broadcast_in_dim3A_31 = vector.broadcast %mul3A_30 : i32 to vector<16xi32>
        %add3A_32 = arith.addi %broadcast_in_dim3A_31, %iota3A : vector<16xi32>
        %mul3A_33 = arith.constant 16 : i32
        %mul3A_34 = arith.muli %scan3A_28, %mul3A_33 : i32
        %add3A_35 = arith.constant 0 : i32
        %add3A_36 = arith.addi %add3A_35, %mul3A_34 : i32
        %get3A = arith.index_cast %add3A_36 : i32 to index
        %get3A_37 = tpu.vector_load %arg4[%get3A] {strides = array<i32>} : memref<36000xf32, #tpu.memory_space<vmem>>, vector<16xf32>,
        %broadcast_in_dim3A_38 = arith.constant 0 : i32
        %broadcast_in_dim3A_39 = vector.broadcast %broadcast_in_dim3A_38 : i32 to vector<16xi32>
        tpu.vector_store_idx %arg5[%add3A_32, %broadcast_in_dim3A_39], %get3A_37 : memref<4000x16xf32, #tpu.memory_space<vmem>>[vector<16xi32>, vector<16xi32>], vector<16xf32>,
        %mul3A_40 = arith.constant 16 : i32
        %mul3A_41 = arith.muli %scan3A_28, %mul3A_40 : i32
        %add3A_42 = arith.constant 4000 : i32
        %add3A_43 = arith.addi %add3A_42, %mul3A_41 : i32
        %get3A_44 = arith.index_cast %add3A_43 : i32 to index
        %get3A_45 = tpu.vector_load %arg4[%get3A_44] {strides = array<i32>} : memref<36000xf32, #tpu.memory_space<vmem>>, vector<16xf32>,
        %broadcast_in_dim3A_46 = arith.constant 1 : i32
        %broadcast_in_dim3A_47 = vector.broadcast %broadcast_in_dim3A_46 : i32 to vector<16xi32>
        tpu.vector_store_idx %arg5[%add3A_32, %broadcast_in_dim3A_47], %get3A_45 : memref<4000x16xf32, #tpu.memory_space<vmem>>[vector<16xi32>, vector<16xi32>], vector<16xf32>,
        %mul3A_48 = arith.constant 16 : i32
        %mul3A_49 = arith.muli %scan3A_28, %mul3A_48 : i32
        %add3A_50 = arith.constant 8000 : i32
        %add3A_51 = arith.addi %add3A_50, %mul3A_49 : i32
        %get3A_52 = arith.index_cast %add3A_51 : i32 to index
        %get3A_53 = tpu.vector_load %arg4[%get3A_52] {strides = array<i32>} : memref<36000xf32, #tpu.memory_space<vmem>>, vector<16xf32>,
        %broadcast_in_dim3A_54 = arith.constant 2 : i32
        %broadcast_in_dim3A_55 = vector.broadcast %broadcast_in_dim3A_54 : i32 to vector<16xi32>
        tpu.vector_store_idx %arg5[%add3A_32, %broadcast_in_dim3A_55], %get3A_53 : memref<4000x16xf32, #tpu.memory_space<vmem>>[vector<16xi32>, vector<16xi32>], vector<16xf32>,
        %mul3A_56 = arith.constant 16 : i32
        %mul3A_57 = arith.muli %scan3A_28, %mul3A_56 : i32
        %add3A_58 = arith.constant 12000 : i32
        %add3A_59 = arith.addi %add3A_58, %mul3A_57 : i32
        %get3A_60 = arith.index_cast %add3A_59 : i32 to index
        %get3A_61 = tpu.vector_load %arg4[%get3A_60] {strides = array<i32>} : memref<36000xf32, #tpu.memory_space<vmem>>, vector<16xf32>,
        %broadcast_in_dim3A_62 = arith.constant 3 : i32
        %broadcast_in_dim3A_63 = vector.broadcast %broadcast_in_dim3A_62 : i32 to vector<16xi32>
        tpu.vector_store_idx %arg5[%add3A_32, %broadcast_in_dim3A_63], %get3A_61 : memref<4000x16xf32, #tpu.memory_space<vmem>>[vector<16xi32>, vector<16xi32>], vector<16xf32>,
        %mul3A_64 = arith.constant 16 : i32
        %mul3A_65 = arith.muli %scan3A_28, %mul3A_64 : i32
        %add3A_66 = arith.constant 16000 : i32
        %add3A_67 = arith.addi %add3A_66, %mul3A_65 : i32
        %get3A_68 = arith.index_cast %add3A_67 : i32 to index
        %get3A_69 = tpu.vector_load %arg4[%get3A_68] {strides = array<i32>} : memref<36000xf32, #tpu.memory_space<vmem>>, vector<16xf32>,
        %broadcast_in_dim3A_70 = arith.constant 4 : i32
        %broadcast_in_dim3A_71 = vector.broadcast %broadcast_in_dim3A_70 : i32 to vector<16xi32>
        tpu.vector_store_idx %arg5[%add3A_32, %broadcast_in_dim3A_71], %get3A_69 : memref<4000x16xf32, #tpu.memory_space<vmem>>[vector<16xi32>, vector<16xi32>], vector<16xf32>,
        %mul3A_72 = arith.constant 16 : i32
        %mul3A_73 = arith.muli %scan3A_28, %mul3A_72 : i32
        %add3A_74 = arith.constant 20000 : i32
        %add3A_75 = arith.addi %add3A_74, %mul3A_73 : i32
        %get3A_76 = arith.index_cast %add3A_75 : i32 to index
        %get3A_77 = tpu.vector_load %arg4[%get3A_76] {strides = array<i32>} : memref<36000xf32, #tpu.memory_space<vmem>>, vector<16xf32>,
        %broadcast_in_dim3A_78 = arith.constant 5 : i32
        %broadcast_in_dim3A_79 = vector.broadcast %broadcast_in_dim3A_78 : i32 to vector<16xi32>
        tpu.vector_store_idx %arg5[%add3A_32, %broadcast_in_dim3A_79], %get3A_77 : memref<4000x16xf32, #tpu.memory_space<vmem>>[vector<16xi32>, vector<16xi32>], vector<16xf32>,
        %mul3A_80 = arith.constant 16 : i32
        %mul3A_81 = arith.muli %scan3A_28, %mul3A_80 : i32
        %add3A_82 = arith.constant 24000 : i32
        %add3A_83 = arith.addi %add3A_82, %mul3A_81 : i32
        %get3A_84 = arith.index_cast %add3A_83 : i32 to index
        %get3A_85 = tpu.vector_load %arg4[%get3A_84] {strides = array<i32>} : memref<36000xf32, #tpu.memory_space<vmem>>, vector<16xf32>,
        %broadcast_in_dim3A_86 = arith.constant 6 : i32
        %broadcast_in_dim3A_87 = vector.broadcast %broadcast_in_dim3A_86 : i32 to vector<16xi32>
        tpu.vector_store_idx %arg5[%add3A_32, %broadcast_in_dim3A_87], %get3A_85 : memref<4000x16xf32, #tpu.memory_space<vmem>>[vector<16xi32>, vector<16xi32>], vector<16xf32>,
        %mul3A_88 = arith.constant 16 : i32
        %mul3A_89 = arith.muli %scan3A_28, %mul3A_88 : i32
        %add3A_90 = arith.constant 28000 : i32
        %add3A_91 = arith.addi %add3A_90, %mul3A_89 : i32
        %get3A_92 = arith.index_cast %add3A_91 : i32 to index
        %get3A_93 = tpu.vector_load %arg4[%get3A_92] {strides = array<i32>} : memref<36000xf32, #tpu.memory_space<vmem>>, vector<16xf32>,
        %broadcast_in_dim3A_94 = arith.constant 7 : i32
        %broadcast_in_dim3A_95 = vector.broadcast %broadcast_in_dim3A_94 : i32 to vector<16xi32>
        tpu.vector_store_idx %arg5[%add3A_32, %broadcast_in_dim3A_95], %get3A_93 : memref<4000x16xf32, #tpu.memory_space<vmem>>[vector<16xi32>, vector<16xi32>], vector<16xf32>,
        %mul3A_96 = arith.constant 16 : i32
        %mul3A_97 = arith.muli %scan3A_28, %mul3A_96 : i32
        %add3A_98 = arith.constant 32000 : i32
        %add3A_99 = arith.addi %add3A_98, %mul3A_97 : i32
        %get3A_100 = arith.index_cast %add3A_99 : i32 to index
        %get3A_101 = tpu.vector_load %arg4[%get3A_100] {strides = array<i32>} : memref<36000xf32, #tpu.memory_space<vmem>>, vector<16xf32>,
        %broadcast_in_dim3A_102 = arith.constant 8 : i32
        %broadcast_in_dim3A_103 = vector.broadcast %broadcast_in_dim3A_102 : i32 to vector<16xi32>
        tpu.vector_store_idx %arg5[%add3A_32, %broadcast_in_dim3A_103], %get3A_101 : memref<4000x16xf32, #tpu.memory_space<vmem>>[vector<16xi32>, vector<16xi32>], vector<16xf32>,
        %broadcast_in_dim3A_104 = arith.constant 9 : i32
        %broadcast_in_dim3A_105 = vector.broadcast %broadcast_in_dim3A_104 : i32 to vector<16xi32>
        tpu.vector_store_idx %arg5[%add3A_32, %broadcast_in_dim3A_105], %broadcast_in_dim3A_23 : memref<4000x16xf32, #tpu.memory_space<vmem>>[vector<16xi32>, vector<16xi32>], vector<16xf32>,
        %broadcast_in_dim3A_106 = arith.constant 10 : i32
        %broadcast_in_dim3A_107 = vector.broadcast %broadcast_in_dim3A_106 : i32 to vector<16xi32>
        tpu.vector_store_idx %arg5[%add3A_32, %broadcast_in_dim3A_107], %broadcast_in_dim3A_23 : memref<4000x16xf32, #tpu.memory_space<vmem>>[vector<16xi32>, vector<16xi32>], vector<16xf32>,
        %broadcast_in_dim3A_108 = arith.constant 11 : i32
        %broadcast_in_dim3A_109 = vector.broadcast %broadcast_in_dim3A_108 : i32 to vector<16xi32>
        tpu.vector_store_idx %arg5[%add3A_32, %broadcast_in_dim3A_109], %broadcast_in_dim3A_23 : memref<4000x16xf32, #tpu.memory_space<vmem>>[vector<16xi32>, vector<16xi32>], vector<16xf32>,
        %broadcast_in_dim3A_110 = arith.constant 12 : i32
        %broadcast_in_dim3A_111 = vector.broadcast %broadcast_in_dim3A_110 : i32 to vector<16xi32>
        tpu.vector_store_idx %arg5[%add3A_32, %broadcast_in_dim3A_111], %broadcast_in_dim3A_23 : memref<4000x16xf32, #tpu.memory_space<vmem>>[vector<16xi32>, vector<16xi32>], vector<16xf32>,
        %broadcast_in_dim3A_112 = arith.constant 13 : i32
        %broadcast_in_dim3A_113 = vector.broadcast %broadcast_in_dim3A_112 : i32 to vector<16xi32>
        tpu.vector_store_idx %arg5[%add3A_32, %broadcast_in_dim3A_113], %broadcast_in_dim3A_23 : memref<4000x16xf32, #tpu.memory_space<vmem>>[vector<16xi32>, vector<16xi32>], vector<16xf32>,
        %broadcast_in_dim3A_114 = arith.constant 14 : i32
        %broadcast_in_dim3A_115 = vector.broadcast %broadcast_in_dim3A_114 : i32 to vector<16xi32>
        tpu.vector_store_idx %arg5[%add3A_32, %broadcast_in_dim3A_115], %broadcast_in_dim3A_23 : memref<4000x16xf32, #tpu.memory_space<vmem>>[vector<16xi32>, vector<16xi32>], vector<16xf32>,
        %broadcast_in_dim3A_116 = arith.constant 15 : i32
        %broadcast_in_dim3A_117 = vector.broadcast %broadcast_in_dim3A_116 : i32 to vector<16xi32>
        tpu.vector_store_idx %arg5[%add3A_32, %broadcast_in_dim3A_117], %broadcast_in_dim3A_23 : memref<4000x16xf32, #tpu.memory_space<vmem>>[vector<16xi32>, vector<16xi32>], vector<16xf32>,
      }
      %scan3A_27 = arith.constant 250 : i32
      "tpu.region"() ({
        %run_scoped3A = tpu.sem_alloc : memref<!tpu.dma_semaphore, #tpu.memory_space<semaphore_mem>>
        %dma_start3A = arith.constant 0 : i32
        %dma_start3A_28 = tpu.memref_slice %arg3[%mul3A_4, %dma_start3A] : memref<100000x16xf32, #tpu.memory_space<hbm>> -> memref<4000x16xf32, #tpu.memory_space<hbm>>
        %dma_start3A_29 = arith.constant 0 : i32
        %dma_start3A_30 = tpu.memref_slice %arg3[%mul3A_4, %dma_start3A_29] : memref<100000x16xf32, #tpu.memory_space<hbm>> -> memref<4000x16xf32, #tpu.memory_space<hbm>>
        tpu.enqueue_dma source(%arg5 : memref<4000x16xf32, #tpu.memory_space<vmem>>) target(%dma_start3A_30 : memref<4000x16xf32, #tpu.memory_space<hbm>>) target_semaphore(%run_scoped3A : memref<!tpu.dma_semaphore, #tpu.memory_space<semaphore_mem>>)
        %dma_wait3A = arith.constant 0 : i32
        %dma_wait3A_31 = tpu.memref_slice %arg3[%mul3A_4, %dma_wait3A] : memref<100000x16xf32, #tpu.memory_space<hbm>> -> memref<4000x16xf32, #tpu.memory_space<hbm>>
        %dma_wait3A_32 = arith.constant 0 : i32
        %dma_wait3A_33 = tpu.memref_slice %arg3[%mul3A_4, %dma_wait3A_32] : memref<100000x16xf32, #tpu.memory_space<hbm>> -> memref<4000x16xf32, #tpu.memory_space<hbm>>
        tpu.wait_dma2 semaphore(%run_scoped3A : memref<!tpu.dma_semaphore, #tpu.memory_space<semaphore_mem>>) src(%arg5 : memref<4000x16xf32, #tpu.memory_space<vmem>>) dst(%dma_wait3A_33 : memref<4000x16xf32, #tpu.memory_space<hbm>>)
        tpu.yield
      }) : () -> ()
    } else {
    }
    return
  }
}

</mosaic_0001>

<sc_bundles>
// kernel: _pad_call.3.cloned.1.call-start
scs
__scs_entry_jumppad:
0x0: {  	(pc) =	sbr.rel $0x88, $3  }
0x1: {  	(tag) =	ssettag $0x0;
	lr =	simm.s32 $0x1  }
0x2: {  	[smem:$0x3FA0] =	sst lr;
	_ =	strace $0xD0000000  }
0x3: {  	_ = 	snop  }
0x4: {  	_ = 	snop  }
0x5: {  	_ = 	snop  }
0x6: {  	_ = 	snop  }
0x7: {  	_ = 	snop  }
__scs_overlays_trampoline_lowered:
0x8: {  	[smem:$0x3FAF] =	sst s0  }
0x9: {  	[smem:$0x3FB0] =	sst s1  }
0xa: {  	[smem:$0x3FB1] =	sst s2  }
0xb: {  	[smem:$0x3FB2] =	sst s3  }
0xc: {  	[smem:$0x3FB3] =	sst s4  }
0xd: {  	[smem:$0x3FB4] =	sst s5  }
0xe: {  	[smem:$0x3FB5] =	sst s6  }
0xf: {  	[smem:$0x3FB6] =	sst s7  }
0x10: {  	[smem:$0x3FB7] =	sst s8  }
0x11: {  	[smem:$0x3FB8] =	sst s9;
	s0 =	simm.s32 @!p0 $0x0  }
0x12: {  	s1 =	sld [smem:$0x3F9E];
	s0 =	simm.s32 @p0 $0x1  }
0x13: {  	[smem:$0x3FB9] =	sst s0;
	s0 =	simm.s32 @!p1 $0x0  }
0x14: {  	s2 =	sld [smem:$0x3F9D];
	s0 =	simm.s32 @p1 $0x1  }
0x15: {  	[smem:$0x3FBA] =	sst s0;
	s0 =	simm.s32 @!p2 $0x0  }
0x16: {  	s3 =	sld [smem:$0x3FDB];
	s0 =	simm.s32 @p2 $0x1  }
0x17: {  	s4 =	simm.s32 $0x1BF5;
	[smem:$0x3FBC] =	sst s0  }
0x18: {  	s0 =	sld [smem:$0x3F9F];
	_ =	swait.ge [sflag:s4], $0x0  }
0x19: {  	s7 =	sld [smem:$0x3FA0]  }
0x1a: {  	s8 =	sadd.s32 $0xFFFFE003, lr  }
0x1b: {  	s9 =	sadd.s32 $0xFFFFFEF7, lr;
	s5 =	simm.s32 $0xFFFFFFFF;
	p2 =	slt.u32 s8, $0xFFFFF086  }
0x1c: {  	p1 =	slt.u32 s9, $0xF7A;
	s5 =	simm.s32 @!p2 $0x0  }
0x1d: {  	s5 =	simm.s32 @p1 $0x1;
	p0 =	seq.s32 s7, s2  }
0x1e: {  	s7 =	smul.u32 @!p0 $0xF7A, s2;
	p2 =	seq.s32 @!p0 s5, $0x0  }
0x1f: {  	s9 =	smul.u32 $0xF7A, s1;
	s8 =	simm.s32 @!p0 $0x1BF5;
	p2 =	por !p2, p0  }
0x20: {  	[sflag:s8] =	ssyncset.s32 @!p0 $0xFFFFF086;
	s6 =	sadd.s32 @!p0 s3, s7;
	s7 =	simm.s32 @!p0 $0x108  }
0x21: {  	s3 =	sadd.s32 s3, s9;
	s6 =	sadd.s32 @!p0 $0x88, s6;
	s7 =	simm.s32 @p2 $0x1082  }
0x22: {  	[simem:s7], [sflag:s8] =	dma.local @!p0 [hbm:s6], $0xF7A  }
0x23: {  	s9 =	sor.u32 $0xD0000000, s2;
	s6 =	simm.s32 $0x108;
	_ =	swait.ge @!p0 [sflag:s8], $0x0  }
0x24: {  	s3 =	sadd.s32 $0x88, s3;
	s6 =	simm.s32 @!p1 $0x1082;
	[sflag:s4] =	ssyncset.s32 $0xFFFFF086  }
0x25: {  	[simem:s6], [sflag:s4] =	dma.local [hbm:s3], $0xF7A  }
0x26: {  	[smem:$0x3FA0] =	sst s1;
	(tag) =	ssettag s2;
	_ =	strace s9  }
0x27: {  	s1 =	sld [smem:$0x3FB0]  }
0x28: {  	s2 =	sld [smem:$0x3FB1]  }
0x29: {  	s4 =	sld [smem:$0x3FB3]  }
0x2a: {  	p0 =	seq.s32 s5, $0x0;
	s5 =	sld [smem:$0x3FB4]  }
0x2b: {  	s6 =	sld [smem:$0x3FB5]  }
0x2c: {  	s7 =	sld [smem:$0x3FB6]  }
0x2d: {  	s3 =	simm.s32 $0x108;
	s8 =	sld [smem:$0x3FB7]  }
0x2e: {  	s3 =	simm.s32 @!p0 $0x1082;
	s9 =	sld [smem:$0x3FB8]  }
0x2f: {  	lr =	sadd.s32 s0, s3;
	s0 =	sld [smem:$0x3FAF]  }
0x30: {  	s3 =	sld [smem:$0x3FB2]  }
0x31: {  	[smem:$0x3FBB] =	sst s10  }
0x32: {  	s10 =	sld [smem:$0x3FB9];
	_ =	sdelay $0x3  }
0x33: {  	p0 =	seq.s32 s10, $0x1;
	s10 =	sld [smem:$0x3FBB];
	_ =	sdelay $0x3  }
0x34: {  	[smem:$0x3FBB] =	sst s10  }
0x35: {  	s10 =	sld [smem:$0x3FBA];
	_ =	sdelay $0x3  }
0x36: {  	p1 =	seq.s32 s10, $0x1;
	s10 =	sld [smem:$0x3FBB];
	_ =	sdelay $0x3  }
0x37: {  	[smem:$0x3FBB] =	sst s10  }
0x38: {  	s10 =	sld [smem:$0x3FBC]  }
0x39: {  	_ = 	snop;
	(pc) =	sbr.ind lr, $3  }
0x3a: {  	_ = 	snop  }
0x3b: {  	_ = 	snop  }
0x3c: {  	p2 =	seq.s32 s10, $0x1;
	s10 =	sld [smem:$0x3FBB]  }
0x3d: {  	_ =	shalt  }
0x3e: {  	_ =	shalt  }
0x3f: {  	_ =	shalt  }
0x40: {  	_ =	shalt  }
0x41: {  	_ =	shalt  }
0x42: {  	_ =	shalt  }
0x43: {  	_ =	shalt  }
0x44: {  	_ =	shalt  }
0x45: {  	_ =	shalt  }
0x46: {  	_ =	shalt  }
0x47: {  	_ =	shalt  }
0x48: {  	_ =	shalt  }
0x49: {  	_ =	shalt  }
0x4a: {  	_ =	shalt  }
0x4b: {  	_ =	shalt  }
0x4c: {  	_ =	shalt  }
0x4d: {  	_ =	shalt  }
0x4e: {  	_ =	shalt  }
0x4f: {  	_ =	shalt  }
0x50: {  	_ =	shalt  }
0x51: {  	_ =	shalt  }
0x52: {  	_ =	shalt  }
0x53: {  	_ =	shalt  }
0x54: {  	_ =	shalt  }
0x55: {  	_ =	shalt  }
0x56: {  	_ =	shalt  }
0x57: {  	_ =	shalt  }
0x58: {  	_ =	shalt  }
0x59: {  	_ =	shalt  }
0x5a: {  	_ =	shalt  }
0x5b: {  	_ =	shalt  }
0x5c: {  	_ =	shalt  }
0x5d: {  	_ =	shalt  }
0x5e: {  	_ =	shalt  }
0x5f: {  	_ =	shalt  }
0x60: {  	_ =	shalt  }
0x61: {  	_ =	shalt  }
0x62: {  	_ =	shalt  }
0x63: {  	_ =	shalt  }
0x64: {  	_ =	shalt  }
0x65: {  	_ =	shalt  }
0x66: {  	_ =	shalt  }
0x67: {  	_ =	shalt  }
0x68: {  	_ =	shalt  }
0x69: {  	_ =	shalt  }
0x6a: {  	_ =	shalt  }
0x6b: {  	_ =	shalt  }
0x6c: {  	_ =	shalt  }
0x6d: {  	_ =	shalt  }
0x6e: {  	_ =	shalt  }
0x6f: {  	_ =	shalt  }
0x70: {  	_ =	shalt  }
0x71: {  	_ =	shalt  }
0x72: {  	_ =	shalt  }
0x73: {  	_ =	shalt  }
0x74: {  	_ =	shalt  }
0x75: {  	_ =	shalt  }
0x76: {  	_ =	shalt  }
0x77: {  	_ =	shalt  }
0x78: {  	_ =	shalt  }
0x79: {  	_ =	shalt  }
0x7a: {  	_ =	shalt  }
0x7b: {  	_ =	shalt  }
0x7c: {  	_ =	shalt  }
0x7d: {  	_ =	shalt  }
0x7e: {  	_ =	shalt  }
0x7f: {  	_ =	shalt  }
0x80: {  	_ =	shalt  }
0x81: {  	_ =	shalt  }
0x82: {  	_ =	shalt  }
0x83: {  	_ =	shalt  }
0x84: {  	_ =	shalt  }
0x85: {  	_ =	shalt  }
0x86: {  	_ =	shalt  }
0x87: {  	_ =	shalt  }
.Lfunc_end0:
.L_simem_size_0:
called_computation_lowered:
.L_overlay_start_0:
0x88: {  	s2 =	sld [smem:$0x3FD9]  }
0x89: {  	s3 =	sld [smem:$0x3FFE];
	_ =	sdelay $0x1  }
0x8a: {  	s1 =	srdreg.scid  }
0x8b: {  	s0 =	sand.u32 $0x1, s1  }
0x8c: {  	s18 =	sshll.u32 s0, $0xA;
	s2 =	sadd.s32 s3, s2  }
0x8d: {  	s2 =	sadd.s32 s2, s18  }
0x8e: {  	[smem:$0x3FC7] =	sst s2  }
0x8f: {  	_ = 	snop  }
0x90: {  	s2 =	sld [smem:$0x3FC9]  }
0x91: {  	s19 =	sld [smem:$0x3FD0];
	(tm) =	ssettm $0x1  }
0x92: {  	s4 =	sld [smem:$0x3FFB];
	_ =	sdelay $0x3  }
0x93: {  	_ =	strace s4  }
0x94: {  	s4 =	sld [smem:$0x3FFC];
	_ =	sdelay $0x3  }
0x95: {  	_ =	strace s4  }
0x96: {  	s4 =	sld [smem:$0x3FFD];
	_ =	sdelay $0x3  }
0x97: {  	_ =	strace s4  }
0x98: {  	_ =	strace $0x8FFFFFFF  }
0x99: {  	s20 =	sld [smem:$0x3FDB];
	_ =	sdelay $0x1  }
0x9a: {  	s5 =	simm.s32 $_scs_section_size  }
0x9b: {  	s6 =	simm.s32 $_size__tile_overlayer_lowered;
	s7 =	simm.s32 $_tile_overlayer_lowered  }
0x9c: {  	s23 =	simm.s32 $0x1BFF;
	s22 =	sshll.u32 s7, $0x1;
	s4 =	sadd.s32 s5, s20  }
0x9d: {  	s8 =	simm.s32 $0x0;
	s21 =	sshll.u32 s6, $0x1;
	s6 =	sadd.s32 s22, s4  }
0x9e: {  	[timem:s8], [sflag:s23] =	dma.local [hbm:s6], s21  }
0x9f: {  	_ =	swait.ge [sflag:s23], s21  }
0xa0: {  	s5 =	ssub.s32 $0x0, s21;
	[sflag:s23] =	ssyncset.done $0x0  }
0xa1: {  	[sflag:s23] =	ssyncadd.s32 s5;
	_ =	sdelay $0x1  }
0xa2: {  	s24 =	simm.s32 $0x1B8B  }
0xa3: {  	_ =	swait.ge [sflag:s24], $0x1  }
0xa4: {  	[sflag:s24] =	ssyncset.done $0x0  }
0xa5: {  	s25 =	simm.s32 $0x1B8E;
	[sflag:s24] =	ssyncadd.s32 $0xFFFFFFFF  }
0xa6: {  	s26 =	simm.s32 $execute0_lowered;
	[smem:$0x3FD2] =	sst s25  }
0xa7: {  	s5 =	sshll.u32 s26, $0x1;
	_ =	strace $0x80000046;
	[dreg:$0x1] =	wrdreg $0xFFFFFFFF  }
0xa8: {  	s28 =	simm.s32 $_size_execute0_lowered;
	s4 =	sadd.s32 s4, s5;
	[dreg:$0x0] =	wrdreg $0x0  }
0xa9: {  	s5 =	sshll.u32 s28, $0x1;
	[dreg:$0x2] =	wrdreg s4  }
0xaa: {  	[dreg:$0x3] =	wrdreg s5  }
0xab: {  	[dreg:$0x4] =	wrdreg $0xC0  }
0xac: {  	_ =	task [dreg:s8], $0x5FFFF  }
0xad: {  	[dreg:$0x1] =	wrdreg $0xFFFFFFFF  }
0xae: {  	[dreg:$0x0] =	wrdreg $0x60  }
0xaf: {  	[dreg:$0x2] =	wrdreg s2  }
0xb0: {  	[dreg:$0x3] =	wrdreg s19  }
0xb1: {  	[dreg:$0x4] =	wrdreg $0x9  }
0xb2: {  	_ =	task.clear_ibuf [dreg:s8], $0x5FFFF;
	_ =	strace $0x90000046  }
0xb3: {  	s29 =	simm.s32 $0x9;
	_ =	strace $0x80000048  }
0xb4: {  	_ =	swait.ge [sflag:s29], $0x1  }
0xb5: {  	[sflag:s29] =	ssyncadd.s32 $0xFFFFFFFF  }
0xb6: {  	_ =	strace $0x90000048  }
0xb7: {  	_ =	sfence  }
0xb8: {  	s30 =	sld [smem:$0x0];
	_ =	sdelay $0x2  }
0xb9: {  	s31 =	sshll.u32 s1, $0xD;
	s1 =	sshrl.u32 s1, $0x2  }
0xba: {  	s3 =	sand.u32 $0x4000, s31;
	s1 =	sadd.s32 s1, s30  }
0xbb: {  	s0 =	sor.u32 s3, s0;
	s1 =	sshll.u32 s1, $0x11  }
0xbc: {  	s0 =	sor.u32 s1, s0  }
0xbd: {  	s0 =	sadd.s32 $0x8F2B, s0  }
0xbe: {  	[sflag:s0] =	ssyncadd.remote.s32 $0x1  }
0xbf: {  	_ =	sfence.sel $0xFFFF  }
0xc0: {  	[dreg:$0x0] =	wrdreg $0xFFFFFFFF;
	(pc) =	sbr.abs _section_cstart, $3  }
0xc1: {  	[dreg:$0x1] =	wrdreg $0xFFFFFFFF  }
0xc2: {  	_ =	task.clear_ibuf [dreg:s8], $0x2FFFF;
	_ =	strace $0x9FFFFFFF  }
0xc3: {  	(tm) =	ssettm $0x7FFFFFFF  }
tec
execute0_lowered:
.L_overlay_start_1:
0x0: {  	(tag) =	ssettag $0x1  }
0x1: {  	s1 =	srdreg.scid;
	s0 =	stileid.u32  }
0x2: {  	s9 =	sand.u32 $0x1, s1;
	s4 =	sshll.u32 s0, $0x1  }
0x3: {  	s10 =	sor.u32 s9, s4  }
0x4: {  	p0 =	sgt.u32 s10, $0x18  }
.Ltmp0:
0x5: {  	_ = 	snop;
	(pc) =	sbr.rel @p0 .LBB2_5-.Ltmp0, $4  }
0x6: {  	s3 =	rddreg [dreg:$0x0]  }
0x7: {  	s12 =	rddreg [dreg:$0x1];
	s2 =	simm.s32 $0x0  }
0x8: {  	[smem:$0x7FF] =	sst s2  }
0x9: {  	s1 =	rddreg [dreg:$0x2];
	_ =	strace $0x80000047  }
0xa: {  	s4 =	smul.u32 $0xFA0, s10  }
0xb: {  	s13 =	ssub.s32 $0x2, s9;
	s14 =	smul.u32 $0x1F40, s10  }
0xc: {  	s16 =	simm.s32 $0x1F40;
	s17 =	simm.s32 $0x2EE0;
	s18 =	simm.s32 $0x3E80  }
0xd: {  	s19 =	simm.s32 $0x4E20;
	s20 =	simm.s32 $0x5DC0;
	s21 =	simm.s32 $0x6D60  }
0xe: {  	s22 =	simm.s32 $0x8CA0;
	s23 =	simm.s32 $0x0;
	s15 =	sshrl.u32 s13, $0x1  }
0xf: {  	s4 =	sshrl.u32 s4, $0x3;
	s13 =	ssub.s32 s13, s15;
	s12 =	sadd.s32 s12, s14  }
0x10: {  	s14 =	simm.s32 $0x1;
	s15 =	simm.s32 $0xFA0;
	s3 =	sadd.s32 s3, s4  }
0x11: {  	s13 =	smax.u32 s13, $0x1;
	s4 =	sadd.s32 $0x30D4, s3;
	s5 =	sadd.s32 $0x61A8, s3  }
0x12: {  	v0 =	vlaneseq.u32;
	s6 =	sadd.s32 $0x927C, s3;
	s7 =	sadd.s32 $0xC350, s3;
	s8 =	sadd.s32 $0xF424, s3  }
0x13: {  	v1 =	vimm.f32 $0.0e+00;
	v0 =	vmul.u32 $0x10, v0;
	s9 =	sadd.s32 $0x124F8, s3;
	s10 =	sadd.s32 $0x155CC, s3;
	s11 =	sadd.s32 $0x186A0, s3  }
.LBB2_2:
0x14: {  	s25 =	simm.s32 $0x0  }
0x15: {  	[tilespmem:s25], [sflag:$0x1] =	stream.linear.gather [hbm4b:s3+s25], $0xFA0, $0x38;
	[tilespmem:$0x186A0] =	vst v63  }
0x16: {  	_ =	swait.ge [sflag:s14], $0xFA0  }
0x17: {  	[sflag:s14] =	ssyncset.done $0x0  }
0x18: {  	[sflag:s14] =	ssyncadd.s32 $0xFFFFF060  }
0x19: {  	[tilespmem:s15], [sflag:$0x1] =	stream.linear.gather [hbm4b:s4+s25], $0xFA0, $0x38;
	[tilespmem:$0x186A0] =	vst v63  }
0x1a: {  	_ =	swait.ge [sflag:s14], $0xFA0  }
0x1b: {  	[sflag:s14] =	ssyncset.done $0x0  }
0x1c: {  	[sflag:s14] =	ssyncadd.s32 $0xFFFFF060  }
0x1d: {  	[tilespmem:s16], [sflag:$0x1] =	stream.linear.gather [hbm4b:s5+s25], $0xFA0, $0x38;
	[tilespmem:$0x186A0] =	vst v63  }
0x1e: {  	_ =	swait.ge [sflag:s14], $0xFA0  }
0x1f: {  	[sflag:s14] =	ssyncset.done $0x0  }
0x20: {  	[sflag:s14] =	ssyncadd.s32 $0xFFFFF060  }
0x21: {  	[tilespmem:s17], [sflag:$0x1] =	stream.linear.gather [hbm4b:s6+s25], $0xFA0, $0x38;
	[tilespmem:$0x186A0] =	vst v63  }
0x22: {  	_ =	swait.ge [sflag:s14], $0xFA0  }
0x23: {  	[sflag:s14] =	ssyncset.done $0x0  }
0x24: {  	[sflag:s14] =	ssyncadd.s32 $0xFFFFF060  }
0x25: {  	[tilespmem:s18], [sflag:$0x1] =	stream.linear.gather [hbm4b:s7+s25], $0xFA0, $0x38;
	[tilespmem:$0x186A0] =	vst v63  }
0x26: {  	_ =	swait.ge [sflag:s14], $0xFA0  }
0x27: {  	[sflag:s14] =	ssyncset.done $0x0  }
0x28: {  	[sflag:s14] =	ssyncadd.s32 $0xFFFFF060  }
0x29: {  	[tilespmem:s19], [sflag:$0x1] =	stream.linear.gather [hbm4b:s8+s25], $0xFA0, $0x38;
	[tilespmem:$0x186A0] =	vst v63  }
0x2a: {  	_ =	swait.ge [sflag:s14], $0xFA0  }
0x2b: {  	[sflag:s14] =	ssyncset.done $0x0  }
0x2c: {  	[sflag:s14] =	ssyncadd.s32 $0xFFFFF060  }
0x2d: {  	[tilespmem:s20], [sflag:$0x1] =	stream.linear.gather [hbm4b:s9+s25], $0xFA0, $0x38;
	[tilespmem:$0x186A0] =	vst v63  }
0x2e: {  	_ =	swait.ge [sflag:s14], $0xFA0  }
0x2f: {  	[sflag:s14] =	ssyncset.done $0x0  }
0x30: {  	[sflag:s14] =	ssyncadd.s32 $0xFFFFF060  }
0x31: {  	[tilespmem:s21], [sflag:$0x1] =	stream.linear.gather [hbm4b:s10+s25], $0xFA0, $0x38;
	[tilespmem:$0x186A0] =	vst v63  }
0x32: {  	_ =	swait.ge [sflag:s14], $0xFA0  }
0x33: {  	[sflag:s14] =	ssyncset.done $0x0  }
0x34: {  	s24 =	simm.s32 $0x7D00;
	[sflag:s14] =	ssyncadd.s32 $0xFFFFF060  }
0x35: {  	[tilespmem:s24], [sflag:$0x1] =	stream.linear.gather [hbm4b:s11+s25], $0xFA0, $0x38;
	[tilespmem:$0x186A0] =	vst v63  }
0x36: {  	_ =	swait.ge [sflag:s14], $0xFA0  }
0x37: {  	v2 =	vmov s25;
	[sflag:s14] =	ssyncset.done $0x0  }
0x38: {  	v2 =	vshll.u32 v2, $0x4;
	[sflag:s14] =	ssyncadd.s32 $0xFFFFF060  }
0x39: {  	v2 =	vor.u32 v0, v2;
	v3 =	vld [tilespmem:s24+$0xFFFF8300];
	_ =	sdelay $0x4  }
0x3a: {  	[tilespmem:v2+s22+$0x0] =	vst.idx.msk $0xffff, v3  }
0x3b: {  	v4 =	vor.u32 $0x1, v2;
	v3 =	vld [tilespmem:s24+$0xFFFF92A0];
	_ =	sdelay $0x4  }
0x3c: {  	[tilespmem:v4+s22+$0x0] =	vst.idx.msk $0xffff, v3  }
0x3d: {  	v4 =	vor.u32 $0x2, v2;
	v3 =	vld [tilespmem:s24+$0xFFFFA240];
	_ =	sdelay $0x4  }
0x3e: {  	[tilespmem:v4+s22+$0x0] =	vst.idx.msk $0xffff, v3  }
0x3f: {  	v4 =	vor.u32 $0x3, v2;
	v3 =	vld [tilespmem:s24+$0xFFFFB1E0];
	_ =	sdelay $0x4  }
0x40: {  	[tilespmem:v4+s22+$0x0] =	vst.idx.msk $0xffff, v3  }
0x41: {  	v4 =	vor.u32 $0x4, v2;
	v3 =	vld [tilespmem:s24+$0xFFFFC180];
	_ =	sdelay $0x4  }
0x42: {  	[tilespmem:v4+s22+$0x0] =	vst.idx.msk $0xffff, v3  }
0x43: {  	v4 =	vor.u32 $0x5, v2;
	v3 =	vld [tilespmem:s24+$0xFFFFD120];
	_ =	sdelay $0x4  }
0x44: {  	[tilespmem:v4+s22+$0x0] =	vst.idx.msk $0xffff, v3  }
0x45: {  	v4 =	vor.u32 $0x6, v2;
	v3 =	vld [tilespmem:s24+$0xFFFFE0C0];
	_ =	sdelay $0x4  }
0x46: {  	[tilespmem:v4+s22+$0x0] =	vst.idx.msk $0xffff, v3  }
0x47: {  	v4 =	vor.u32 $0x7, v2;
	v3 =	vld [tilespmem:s24+$0xFFFFF060];
	_ =	sdelay $0x4  }
0x48: {  	[tilespmem:v4+s22+$0x0] =	vst.idx.msk $0xffff, v3  }
0x49: {  	v4 =	vor.u32 $0x8, v2;
	v3 =	vld [tilespmem:s24+$0x0]  }
0x4a: {  	v5 =	vor.u32 $0x9, v2  }
0x4b: {  	v6 =	vor.u32 $0xA, v2  }
0x4c: {  	v7 =	vor.u32 $0xB, v2  }
0x4d: {  	v8 =	vor.u32 $0xC, v2  }
0x4e: {  	[tilespmem:v4+s22+$0x0] =	vst.idx.msk $0xffff, v3;
	v3 =	vor.u32 $0xD, v2  }
0x4f: {  	v4 =	vor.u32 $0xE, v2;
	[tilespmem:v5+s22+$0x0] =	vst.idx.msk $0xffff, v1  }
0x50: {  	[tilespmem:v6+s22+$0x0] =	vst.idx.msk $0xffff, v1  }
0x51: {  	v2 =	vor.u32 $0xF, v2;
	[tilespmem:v7+s22+$0x0] =	vst.idx.msk $0xffff, v1  }
0x52: {  	[tilespmem:v8+s22+$0x0] =	vst.idx.msk $0xffff, v1  }
0x53: {  	s26 =	simm.s32 $0x10;
	[tilespmem:v3+s22+$0x0] =	vst.idx.msk $0xffff, v1  }
0x54: {  	s25 =	simm.s32 $0x20;
	v3 =	vmov s26;
	[tilespmem:v4+s22+$0x0] =	vst.idx.msk $0xffff, v1  }
.LBB2_3:
0x55: {  	p0 =	sne.s32 s25, $0xF90  }
0x56: {  	v3 =	vshll.u32 v3, $0x4;
	[tilespmem:v2+s22+$0x0] =	vst.idx.msk $0xffff, v1;
	s24 =	sadd.s32 $0x10, s24;
	s26 =	smov.u32 s25;
	s25 =	sadd.s32 $0x10, s25  }
0x57: {  	v2 =	vld [tilespmem:s24+$0xFFFF8300];
	v3 =	vor.u32 v0, v3;
	_ =	sdelay $0x4  }
0x58: {  	[tilespmem:v3+s22+$0x0] =	vst.idx.msk $0xffff, v2  }
0x59: {  	v4 =	vor.u32 $0x1, v3;
	v2 =	vld [tilespmem:s24+$0xFFFF92A0];
	_ =	sdelay $0x4  }
0x5a: {  	[tilespmem:v4+s22+$0x0] =	vst.idx.msk $0xffff, v2  }
0x5b: {  	v4 =	vor.u32 $0x2, v3;
	v2 =	vld [tilespmem:s24+$0xFFFFA240];
	_ =	sdelay $0x4  }
0x5c: {  	[tilespmem:v4+s22+$0x0] =	vst.idx.msk $0xffff, v2  }
0x5d: {  	v4 =	vor.u32 $0x3, v3;
	v2 =	vld [tilespmem:s24+$0xFFFFB1E0];
	_ =	sdelay $0x4  }
0x5e: {  	[tilespmem:v4+s22+$0x0] =	vst.idx.msk $0xffff, v2  }
0x5f: {  	v4 =	vor.u32 $0x4, v3;
	v2 =	vld [tilespmem:s24+$0xFFFFC180];
	_ =	sdelay $0x4  }
0x60: {  	[tilespmem:v4+s22+$0x0] =	vst.idx.msk $0xffff, v2  }
0x61: {  	v4 =	vor.u32 $0x5, v3;
	v2 =	vld [tilespmem:s24+$0xFFFFD120];
	_ =	sdelay $0x4  }
0x62: {  	[tilespmem:v4+s22+$0x0] =	vst.idx.msk $0xffff, v2  }
0x63: {  	v4 =	vor.u32 $0x6, v3;
	v2 =	vld [tilespmem:s24+$0xFFFFE0C0];
	_ =	sdelay $0x4  }
0x64: {  	[tilespmem:v4+s22+$0x0] =	vst.idx.msk $0xffff, v2  }
0x65: {  	v4 =	vor.u32 $0x7, v3;
	v2 =	vld [tilespmem:s24+$0xFFFFF060];
	_ =	sdelay $0x4  }
0x66: {  	[tilespmem:v4+s22+$0x0] =	vst.idx.msk $0xffff, v2  }
0x67: {  	v4 =	vor.u32 $0x8, v3;
	v2 =	vld [tilespmem:s24+$0x0]  }
0x68: {  	v5 =	vor.u32 $0x9, v3  }
0x69: {  	v6 =	vor.u32 $0xA, v3  }
0x6a: {  	v7 =	vor.u32 $0xB, v3  }
0x6b: {  	v8 =	vor.u32 $0xC, v3  }
0x6c: {  	[tilespmem:v4+s22+$0x0] =	vst.idx.msk $0xffff, v2;
	v4 =	vor.u32 $0xD, v3  }
0x6d: {  	[tilespmem:v5+s22+$0x0] =	vst.idx.msk $0xffff, v1;
	v5 =	vor.u32 $0xE, v3  }
.Ltmp1:
0x6e: {  	v2 =	vor.u32 $0xF, v3;
	[tilespmem:v6+s22+$0x0] =	vst.idx.msk $0xffff, v1;
	(pc) =	sbr.rel @p0 .LBB2_3-.Ltmp1, $4  }
0x6f: {  	[tilespmem:v7+s22+$0x0] =	vst.idx.msk $0xffff, v1  }
0x70: {  	[tilespmem:v8+s22+$0x0] =	vst.idx.msk $0xffff, v1  }
0x71: {  	[tilespmem:v4+s22+$0x0] =	vst.idx.msk $0xffff, v1  }
0x72: {  	v3 =	vmov s26;
	[tilespmem:v5+s22+$0x0] =	vst.idx.msk $0xffff, v1  }
0x73: {  	_ =	sdelay $0x3  }
0x74: {  	v3 =	vshll.u32 v3, $0x4;
	[tilespmem:v2+s22+$0x0] =	vst.idx.msk $0xffff, v1;
	s24 =	sadd.s32 $0x10, s24  }
0x75: {  	v2 =	vld [tilespmem:s24+$0xFFFF8300];
	v3 =	vor.u32 v0, v3;
	_ =	sdelay $0x4  }
0x76: {  	[tilespmem:v3+s22+$0x0] =	vst.idx.msk $0xffff, v2  }
0x77: {  	v4 =	vor.u32 $0x1, v3;
	v2 =	vld [tilespmem:s24+$0xFFFF92A0];
	_ =	sdelay $0x4  }
0x78: {  	[tilespmem:v4+s22+$0x0] =	vst.idx.msk $0xffff, v2  }
0x79: {  	v56 =	vor.u32 $0x2, v3;
	v2 =	vld [tilespmem:s24+$0xFFFFA240];
	_ =	sdelay $0x4  }
0x7a: {  	[tilespmem:v56+s22+$0x0] =	vst.idx.msk $0xffff, v2  }
0x7b: {  	v57 =	vor.u32 $0x3, v3;
	v2 =	vld [tilespmem:s24+$0xFFFFB1E0];
	_ =	sdelay $0x4  }
0x7c: {  	[tilespmem:v57+s22+$0x0] =	vst.idx.msk $0xffff, v2  }
0x7d: {  	v58 =	vor.u32 $0x4, v3;
	v2 =	vld [tilespmem:s24+$0xFFFFC180];
	_ =	sdelay $0x4  }
0x7e: {  	[tilespmem:v58+s22+$0x0] =	vst.idx.msk $0xffff, v2  }
0x7f: {  	v59 =	vor.u32 $0x5, v3;
	v2 =	vld [tilespmem:s24+$0xFFFFD120];
	_ =	sdelay $0x4  }
0x80: {  	[tilespmem:v59+s22+$0x0] =	vst.idx.msk $0xffff, v2  }
0x81: {  	v60 =	vor.u32 $0x6, v3;
	v2 =	vld [tilespmem:s24+$0xFFFFE0C0];
	_ =	sdelay $0x4  }
0x82: {  	[tilespmem:v60+s22+$0x0] =	vst.idx.msk $0xffff, v2  }
0x83: {  	v61 =	vor.u32 $0x7, v3;
	v2 =	vld [tilespmem:s24+$0xFFFFF060];
	_ =	sdelay $0x4  }
0x84: {  	[tilespmem:v61+s22+$0x0] =	vst.idx.msk $0xffff, v2  }
0x85: {  	v62 =	vor.u32 $0x8, v3;
	v2 =	vld [tilespmem:s24+$0x0]  }
0x86: {  	v5 =	vor.u32 $0x9, v3  }
0x87: {  	v6 =	vor.u32 $0xA, v3  }
0x88: {  	v7 =	vor.u32 $0xB, v3  }
0x89: {  	v8 =	vor.u32 $0xC, v3  }
0x8a: {  	[tilespmem:v62+s22+$0x0] =	vst.idx.msk $0xffff, v2;
	v2 =	vor.u32 $0xD, v3  }
0x8b: {  	v63 =	vor.u32 $0xE, v3;
	[tilespmem:v5+s22+$0x0] =	vst.idx.msk $0xffff, v1  }
0x8c: {  	v3 =	vor.u32 $0xF, v3;
	[tilespmem:v6+s22+$0x0] =	vst.idx.msk $0xffff, v1  }
0x8d: {  	[tilespmem:v7+s22+$0x0] =	vst.idx.msk $0xffff, v1  }
0x8e: {  	[tilespmem:v8+s22+$0x0] =	vst.idx.msk $0xffff, v1  }
0x8f: {  	s23 =	sadd.s32 $0x1, s23;
	[tilespmem:v2+s22+$0x0] =	vst.idx.msk $0xffff, v1  }
0x90: {  	p0 =	sne.s32 s23, s13;
	[tilespmem:v63+s22+$0x0] =	vst.idx.msk $0xffff, v1  }
.Ltmp2:
0x91: {  	[tilespmem:v3+s22+$0x0] =	vst.idx.msk $0xffff, v1;
	(pc) =	sbr.rel @p0 .LBB2_2-.Ltmp2, $4  }
0x92: {  	[hbm4b:s12+s2] =	stream.linear.scatter [tilespmem:s22], [sflag:$0x1], $0xFA00, $0x38;
	[tilespmem:$0x186A0] =	vst v63  }
0x93: {  	_ =	swait.ge [sflag:s14], $0xFA00  }
0x94: {  	[sflag:s14] =	ssyncset.done $0x0  }
0x95: {  	[sflag:s14] =	ssyncadd.s32 $0xFFFF0600  }
.LBB2_5:
0x96: {  	_ =	sfence.sel $0x180000  }
0x97: {  	[bflag:$0x0] =	sbarrier.arrive $0xFFFF  }
0x98: {  	p0 =	sne.s32 s0, $0x0;
	_ =	strace $0x90000047  }
0x99: {  	s0 =	sadd.s32 @!p0 $0x100000, s1;
	[bflag:$0x2] =	sbarrier.arrive $0xFFFF  }
0x9a: {  	[sflag:s0] =	ssyncadd.tile.s32 @!p0 $0x1;
	_ =	shalt  }
.Lfunc_end2:
_tile_overlayer_lowered:
.L_overlay_start_2:
0x9b: {  	(tag) =	ssettag $0x2  }
0x9c: {  	s0 =	rddreg [dreg:$0x0];
	s2 =	stileid.u32  }
0x9d: {  	s1 =	rddreg [dreg:$0x1];
	p0 =	sne.s32 s2, $0x0  }
0x9e: {  	s3 =	rddreg [dreg:$0x2];
	[bflag:$0x3] =	sbarrier.arrive $0xFFFF;
	s2 =	simm.s32 @!p0 $0x1C01  }
0x9f: {  	[timem:s3], [sflag:s2] =	dma.local @!p0 [hbm:s0], s1  }
0xa0: {  	s0 =	simm.s32 @!p0 $0x1  }
0xa1: {  	_ =	swait.ge @!p0 [sflag:s0], s1  }
0xa2: {  	s1 =	ssub.s32 @!p0 $0x0, s1;
	[sflag:s0] =	ssyncset.done @!p0 $0x0  }
0xa3: {  	[sflag:s0] =	ssyncadd.s32 @!p0 s1  }
0xa4: {  	[bflag:$0x3] =	sbarrier.arrive $0xFFFF  }
0xa5: {  	_ =	shalt  }

</sc_bundles>
